<compile_context>
chip_gen: v7x
topology: tpu7x:2x2x1
jax: 0.10.2.dev20260603
libtpu: 0.0.44.dev20260713+nightly
codegen_flags: <defaults>
</compile_context>

<pallas_src>
import functools

import jax
import jax.numpy as jnp
from jax import lax
from jax.experimental import pallas as pl
from jax.experimental.pallas import tpu as pltpu
from jax.experimental.pallas import tpu_sc as plsc

B, S, D = 4096, 200, 128
NC, NS, L = 2, 16, 16
NW = NC * NS
BPW = B // NW

_mesh = plsc.VectorSubcoreMesh(core_axis_name="c", subcore_axis_name="s")


@functools.partial(
    pl.kernel,
    mesh=_mesh,
    out_type=jax.ShapeDtypeStruct((B, D), jnp.float32),
    scratch_types=[
        pltpu.VMEM((BPW,), jnp.int32),
        pltpu.VMEM((BPW, D), jnp.float32),
        pltpu.SemaphoreType.DMA,
    ],
)
def _gather_rows(table_hbm, idx_hbm, out_hbm, idx_v, rows_v, sem):
    wid = lax.axis_index("s") * NC + lax.axis_index("c")
    base = wid * BPW
    pltpu.sync_copy(idx_hbm.at[pl.ds(base, BPW)], idx_v)
    lane_off = lax.iota(jnp.int32, L) * S
    for i in range(BPW // L):
        sl = pl.ds(i * L, L)
        idx_v[sl] = idx_v[sl] + ((base + i * L) * S + lane_off)
    pltpu.async_copy(table_hbm.at[idx_v], rows_v, sem).wait()
    pltpu.sync_copy(rows_v, out_hbm.at[pl.ds(base, BPW)])


def kernel(seq, obj_idx):
    table = seq.reshape(B * S, D)
    idx = obj_idx.astype(jnp.int32)
    return _gather_rows(table, idx)

# --- scband reference (transcript-rebuilt; emitter-appended) ---
"""Pipeline reference for scband-fetcher-pooler-72335839200081 (READ-ONLY COPY).

The authoritative reference and input builder live on the scoring server;
editing this copy changes nothing except your own understanding.
"""

import jax, jax.numpy as jnp
import numpy as np


def setup_inputs(seed: int = 0) -> dict:
    key = jax.random.key(seed)
    k1, k2 = jax.random.split(key)
    seq = jax.random.normal(k1, (4096, 200, 128), dtype=jnp.float32)
    obj_idx = jax.random.randint(k2, (4096,), 0, 200, dtype=jnp.int64)
    return {"seq": seq, "obj_idx": obj_idx}


def reference(seq, obj_idx):
    # outp = seq[arange(B), obj_idx] -> [B, D]
    outp = seq[jnp.arange(seq.shape[0]), obj_idx]
    return outp

if __name__ == "__main__":
    import jax
    _d = setup_inputs()
    print(jax.jit(kernel)(*tuple(_d.values())))

</pallas_src>

<mosaic_0001>
#map = affine_map<(d0, d1) -> (0, 0)>
#map1 = affine_map<(d0, d1) -> (0)>
module attributes {stable_mosaic.version = 14 : i64} {
  func.func @_gather_rows(%arg0: i32, %arg1: i32, %arg2: memref<819200x128xf32, #tpu.memory_space<hbm>>, %arg3: memref<4096xi32, #tpu.memory_space<hbm>>, %arg4: memref<4096x128xf32, #tpu.memory_space<hbm>>, %arg5: memref<128xi32, #tpu.memory_space<vmem>>, %arg6: memref<128x128xf32, #tpu.memory_space<vmem>>, %arg7: memref<!tpu.dma_semaphore, #tpu.memory_space<semaphore_mem>>) attributes {dimension_semantics = [#tpu.dimension_semantics<core_parallel>, #tpu.dimension_semantics<subcore_parallel>], iteration_bounds = array<i64: 2, 16>, scalar_prefetch = 0 : i64, scratch_operands = 3 : i64, tpu.core_type = #tpu.core_type<sc_vector_subcore>, window_params = [{transform_indices = #map}, {transform_indices = #map1}, {transform_indices = #map}]} {
    %mul3A = arith.constant 2 : i32
    %mul3A_0 = arith.muli %arg1, %mul3A : i32
    %add3A = arith.addi %mul3A_0, %arg0 : i32
    %mul3A_1 = arith.constant 128 : i32
    %mul3A_2 = arith.muli %add3A, %mul3A_1 : i32
    "tpu.region"() ({
      %run_scoped3A = tpu.sem_alloc : memref<!tpu.dma_semaphore, #tpu.memory_space<semaphore_mem>>
      %dma_start3A_120 = tpu.memref_slice %arg3[%mul3A_2] : memref<4096xi32, #tpu.memory_space<hbm>> -> memref<128xi32, #tpu.memory_space<hbm>>
      %dma_start3A_121 = tpu.memref_slice %arg3[%mul3A_2] : memref<4096xi32, #tpu.memory_space<hbm>> -> memref<128xi32, #tpu.memory_space<hbm>>
      tpu.enqueue_dma source(%dma_start3A_121 : memref<128xi32, #tpu.memory_space<hbm>>) target(%arg5 : memref<128xi32, #tpu.memory_space<vmem>>) target_semaphore(%run_scoped3A : memref<!tpu.dma_semaphore, #tpu.memory_space<semaphore_mem>>)
      %dma_wait3A_122 = tpu.memref_slice %arg3[%mul3A_2] : memref<4096xi32, #tpu.memory_space<hbm>> -> memref<128xi32, #tpu.memory_space<hbm>>
      %dma_wait3A_123 = tpu.memref_slice %arg3[%mul3A_2] : memref<4096xi32, #tpu.memory_space<hbm>> -> memref<128xi32, #tpu.memory_space<hbm>>
      tpu.wait_dma2 semaphore(%run_scoped3A : memref<!tpu.dma_semaphore, #tpu.memory_space<semaphore_mem>>) src(%dma_wait3A_123 : memref<128xi32, #tpu.memory_space<hbm>>) dst(%arg5 : memref<128xi32, #tpu.memory_space<vmem>>)
      tpu.yield
    }) : () -> ()
    %iota3A = tpu.iota {dimensions = array<i32: 0>} : vector<16xi32>
    %mul3A_3 = arith.constant 200 : i32
    %mul3A_4 = vector.broadcast %mul3A_3 : i32 to vector<16xi32>
    %mul3A_5 = arith.muli %iota3A, %mul3A_4 : vector<16xi32>
    %get3A = arith.constant 0 : index
    %get3A_6 = tpu.vector_load %arg5[%get3A] {strides = array<i32>} : memref<128xi32, #tpu.memory_space<vmem>>, vector<16xi32>,
    %get3A_7 = vector.shape_cast %get3A_6 : vector<16xi32> to vector<16xi32>
    %add3A_8 = arith.constant 0 : i32
    %add3A_9 = arith.addi %mul3A_2, %add3A_8 : i32
    %mul3A_10 = arith.constant 200 : i32
    %mul3A_11 = arith.muli %add3A_9, %mul3A_10 : i32
    %add3A_12 = vector.broadcast %mul3A_11 : i32 to vector<16xi32>
    %add3A_13 = arith.addi %add3A_12, %mul3A_5 : vector<16xi32>
    %add3A_14 = arith.addi %get3A_7, %add3A_13 : vector<16xi32>
    %swap3A = arith.constant 0 : index
    %swap3A_15 = tpu.vector_load %arg5[%swap3A] {strides = array<i32>} : memref<128xi32, #tpu.memory_space<vmem>>, vector<16xi32>,
    %swap3A_16 = vector.shape_cast %swap3A_15 : vector<16xi32> to vector<16xi32>
    %swap3A_17 = vector.shape_cast %add3A_14 : vector<16xi32> to vector<16xi32>
    tpu.vector_store %arg5[%swap3A], %swap3A_17 {strides = array<i32>} : memref<128xi32, #tpu.memory_space<vmem>>, vector<16xi32>,
    %get3A_18 = arith.constant 16 : index
    %get3A_19 = tpu.vector_load %arg5[%get3A_18] {strides = array<i32>} : memref<128xi32, #tpu.memory_space<vmem>>, vector<16xi32>,
    %get3A_20 = vector.shape_cast %get3A_19 : vector<16xi32> to vector<16xi32>
    %add3A_21 = arith.constant 16 : i32
    %add3A_22 = arith.addi %mul3A_2, %add3A_21 : i32
    %mul3A_23 = arith.constant 200 : i32
    %mul3A_24 = arith.muli %add3A_22, %mul3A_23 : i32
    %add3A_25 = vector.broadcast %mul3A_24 : i32 to vector<16xi32>
    %add3A_26 = arith.addi %add3A_25, %mul3A_5 : vector<16xi32>
    %add3A_27 = arith.addi %get3A_20, %add3A_26 : vector<16xi32>
    %swap3A_28 = arith.constant 16 : index
    %swap3A_29 = tpu.vector_load %arg5[%swap3A_28] {strides = array<i32>} : memref<128xi32, #tpu.memory_space<vmem>>, vector<16xi32>,
    %swap3A_30 = vector.shape_cast %swap3A_29 : vector<16xi32> to vector<16xi32>
    %swap3A_31 = vector.shape_cast %add3A_27 : vector<16xi32> to vector<16xi32>
    tpu.vector_store %arg5[%swap3A_28], %swap3A_31 {strides = array<i32>} : memref<128xi32, #tpu.memory_space<vmem>>, vector<16xi32>,
    %get3A_32 = arith.constant 32 : index
    %get3A_33 = tpu.vector_load %arg5[%get3A_32] {strides = array<i32>} : memref<128xi32, #tpu.memory_space<vmem>>, vector<16xi32>,
    %get3A_34 = vector.shape_cast %get3A_33 : vector<16xi32> to vector<16xi32>
    %add3A_35 = arith.constant 32 : i32
    %add3A_36 = arith.addi %mul3A_2, %add3A_35 : i32
    %mul3A_37 = arith.constant 200 : i32
    %mul3A_38 = arith.muli %add3A_36, %mul3A_37 : i32
    %add3A_39 = vector.broadcast %mul3A_38 : i32 to vector<16xi32>
    %add3A_40 = arith.addi %add3A_39, %mul3A_5 : vector<16xi32>
    %add3A_41 = arith.addi %get3A_34, %add3A_40 : vector<16xi32>
    %swap3A_42 = arith.constant 32 : index
    %swap3A_43 = tpu.vector_load %arg5[%swap3A_42] {strides = array<i32>} : memref<128xi32, #tpu.memory_space<vmem>>, vector<16xi32>,
    %swap3A_44 = vector.shape_cast %swap3A_43 : vector<16xi32> to vector<16xi32>
    %swap3A_45 = vector.shape_cast %add3A_41 : vector<16xi32> to vector<16xi32>
    tpu.vector_store %arg5[%swap3A_42], %swap3A_45 {strides = array<i32>} : memref<128xi32, #tpu.memory_space<vmem>>, vector<16xi32>,
    %get3A_46 = arith.constant 48 : index
    %get3A_47 = tpu.vector_load %arg5[%get3A_46] {strides = array<i32>} : memref<128xi32, #tpu.memory_space<vmem>>, vector<16xi32>,
    %get3A_48 = vector.shape_cast %get3A_47 : vector<16xi32> to vector<16xi32>
    %add3A_49 = arith.constant 48 : i32
    %add3A_50 = arith.addi %mul3A_2, %add3A_49 : i32
    %mul3A_51 = arith.constant 200 : i32
    %mul3A_52 = arith.muli %add3A_50, %mul3A_51 : i32
    %add3A_53 = vector.broadcast %mul3A_52 : i32 to vector<16xi32>
    %add3A_54 = arith.addi %add3A_53, %mul3A_5 : vector<16xi32>
    %add3A_55 = arith.addi %get3A_48, %add3A_54 : vector<16xi32>
    %swap3A_56 = arith.constant 48 : index
    %swap3A_57 = tpu.vector_load %arg5[%swap3A_56] {strides = array<i32>} : memref<128xi32, #tpu.memory_space<vmem>>, vector<16xi32>,
    %swap3A_58 = vector.shape_cast %swap3A_57 : vector<16xi32> to vector<16xi32>
    %swap3A_59 = vector.shape_cast %add3A_55 : vector<16xi32> to vector<16xi32>
    tpu.vector_store %arg5[%swap3A_56], %swap3A_59 {strides = array<i32>} : memref<128xi32, #tpu.memory_space<vmem>>, vector<16xi32>,
    %get3A_60 = arith.constant 64 : index
    %get3A_61 = tpu.vector_load %arg5[%get3A_60] {strides = array<i32>} : memref<128xi32, #tpu.memory_space<vmem>>, vector<16xi32>,
    %get3A_62 = vector.shape_cast %get3A_61 : vector<16xi32> to vector<16xi32>
    %add3A_63 = arith.constant 64 : i32
    %add3A_64 = arith.addi %mul3A_2, %add3A_63 : i32
    %mul3A_65 = arith.constant 200 : i32
    %mul3A_66 = arith.muli %add3A_64, %mul3A_65 : i32
    %add3A_67 = vector.broadcast %mul3A_66 : i32 to vector<16xi32>
    %add3A_68 = arith.addi %add3A_67, %mul3A_5 : vector<16xi32>
    %add3A_69 = arith.addi %get3A_62, %add3A_68 : vector<16xi32>
    %swap3A_70 = arith.constant 64 : index
    %swap3A_71 = tpu.vector_load %arg5[%swap3A_70] {strides = array<i32>} : memref<128xi32, #tpu.memory_space<vmem>>, vector<16xi32>,
    %swap3A_72 = vector.shape_cast %swap3A_71 : vector<16xi32> to vector<16xi32>
    %swap3A_73 = vector.shape_cast %add3A_69 : vector<16xi32> to vector<16xi32>
    tpu.vector_store %arg5[%swap3A_70], %swap3A_73 {strides = array<i32>} : memref<128xi32, #tpu.memory_space<vmem>>, vector<16xi32>,
    %get3A_74 = arith.constant 80 : index
    %get3A_75 = tpu.vector_load %arg5[%get3A_74] {strides = array<i32>} : memref<128xi32, #tpu.memory_space<vmem>>, vector<16xi32>,
    %get3A_76 = vector.shape_cast %get3A_75 : vector<16xi32> to vector<16xi32>
    %add3A_77 = arith.constant 80 : i32
    %add3A_78 = arith.addi %mul3A_2, %add3A_77 : i32
    %mul3A_79 = arith.constant 200 : i32
    %mul3A_80 = arith.muli %add3A_78, %mul3A_79 : i32
    %add3A_81 = vector.broadcast %mul3A_80 : i32 to vector<16xi32>
    %add3A_82 = arith.addi %add3A_81, %mul3A_5 : vector<16xi32>
    %add3A_83 = arith.addi %get3A_76, %add3A_82 : vector<16xi32>
    %swap3A_84 = arith.constant 80 : index
    %swap3A_85 = tpu.vector_load %arg5[%swap3A_84] {strides = array<i32>} : memref<128xi32, #tpu.memory_space<vmem>>, vector<16xi32>,
    %swap3A_86 = vector.shape_cast %swap3A_85 : vector<16xi32> to vector<16xi32>
    %swap3A_87 = vector.shape_cast %add3A_83 : vector<16xi32> to vector<16xi32>
    tpu.vector_store %arg5[%swap3A_84], %swap3A_87 {strides = array<i32>} : memref<128xi32, #tpu.memory_space<vmem>>, vector<16xi32>,
    %get3A_88 = arith.constant 96 : index
    %get3A_89 = tpu.vector_load %arg5[%get3A_88] {strides = array<i32>} : memref<128xi32, #tpu.memory_space<vmem>>, vector<16xi32>,
    %get3A_90 = vector.shape_cast %get3A_89 : vector<16xi32> to vector<16xi32>
    %add3A_91 = arith.constant 96 : i32
    %add3A_92 = arith.addi %mul3A_2, %add3A_91 : i32
    %mul3A_93 = arith.constant 200 : i32
    %mul3A_94 = arith.muli %add3A_92, %mul3A_93 : i32
    %add3A_95 = vector.broadcast %mul3A_94 : i32 to vector<16xi32>
    %add3A_96 = arith.addi %add3A_95, %mul3A_5 : vector<16xi32>
    %add3A_97 = arith.addi %get3A_90, %add3A_96 : vector<16xi32>
    %swap3A_98 = arith.constant 96 : index
    %swap3A_99 = tpu.vector_load %arg5[%swap3A_98] {strides = array<i32>} : memref<128xi32, #tpu.memory_space<vmem>>, vector<16xi32>,
    %swap3A_100 = vector.shape_cast %swap3A_99 : vector<16xi32> to vector<16xi32>
    %swap3A_101 = vector.shape_cast %add3A_97 : vector<16xi32> to vector<16xi32>
    tpu.vector_store %arg5[%swap3A_98], %swap3A_101 {strides = array<i32>} : memref<128xi32, #tpu.memory_space<vmem>>, vector<16xi32>,
    %get3A_102 = arith.constant 112 : index
    %get3A_103 = tpu.vector_load %arg5[%get3A_102] {strides = array<i32>} : memref<128xi32, #tpu.memory_space<vmem>>, vector<16xi32>,
    %get3A_104 = vector.shape_cast %get3A_103 : vector<16xi32> to vector<16xi32>
    %add3A_105 = arith.constant 112 : i32
    %add3A_106 = arith.addi %mul3A_2, %add3A_105 : i32
    %mul3A_107 = arith.constant 200 : i32
    %mul3A_108 = arith.muli %add3A_106, %mul3A_107 : i32
    %add3A_109 = vector.broadcast %mul3A_108 : i32 to vector<16xi32>
    %add3A_110 = arith.addi %add3A_109, %mul3A_5 : vector<16xi32>
    %add3A_111 = arith.addi %get3A_104, %add3A_110 : vector<16xi32>
    %swap3A_112 = arith.constant 112 : index
    %swap3A_113 = tpu.vector_load %arg5[%swap3A_112] {strides = array<i32>} : memref<128xi32, #tpu.memory_space<vmem>>, vector<16xi32>,
    %swap3A_114 = vector.shape_cast %swap3A_113 : vector<16xi32> to vector<16xi32>
    %swap3A_115 = vector.shape_cast %add3A_111 : vector<16xi32> to vector<16xi32>
    tpu.vector_store %arg5[%swap3A_112], %swap3A_115 {strides = array<i32>} : memref<128xi32, #tpu.memory_space<vmem>>, vector<16xi32>,
    %dma_start3A = arith.constant 0 : i32
    %dma_start3A_116 = arith.constant 0 : i32
    %dma_start3A_117 = tpu.memref_slice %arg2[%dma_start3A, %dma_start3A_116] : memref<819200x128xf32, #tpu.memory_space<hbm>> -> memref<819200x128xf32, #tpu.memory_space<hbm>>
    tpu.enqueue_indirect_dma source(%dma_start3A_117 : memref<819200x128xf32, #tpu.memory_space<hbm>>) target(%arg6 : memref<128x128xf32, #tpu.memory_space<vmem>>) offsets(%arg5 : memref<128xi32, #tpu.memory_space<vmem>>) semaphore(%arg7 : memref<!tpu.dma_semaphore, #tpu.memory_space<semaphore_mem>>)
    %dma_wait3A = arith.constant 0 : i32
    %dma_wait3A_118 = arith.constant 0 : i32
    %dma_wait3A_119 = tpu.memref_slice %arg2[%dma_wait3A, %dma_wait3A_118] : memref<819200x128xf32, #tpu.memory_space<hbm>> -> memref<819200x128xf32, #tpu.memory_space<hbm>>
    tpu.wait_indirect_dma semaphore(%arg7 : memref<!tpu.dma_semaphore, #tpu.memory_space<semaphore_mem>>) src(%dma_wait3A_119 : memref<819200x128xf32, #tpu.memory_space<hbm>>) dst(%arg6 : memref<128x128xf32, #tpu.memory_space<vmem>>)
    "tpu.region"() ({
      %run_scoped3A = tpu.sem_alloc : memref<!tpu.dma_semaphore, #tpu.memory_space<semaphore_mem>>
      %dma_start3A_120 = arith.constant 0 : i32
      %dma_start3A_121 = tpu.memref_slice %arg4[%mul3A_2, %dma_start3A_120] : memref<4096x128xf32, #tpu.memory_space<hbm>> -> memref<128x128xf32, #tpu.memory_space<hbm>>
      %dma_start3A_122 = arith.constant 0 : i32
      %dma_start3A_123 = tpu.memref_slice %arg4[%mul3A_2, %dma_start3A_122] : memref<4096x128xf32, #tpu.memory_space<hbm>> -> memref<128x128xf32, #tpu.memory_space<hbm>>
      tpu.enqueue_dma source(%arg6 : memref<128x128xf32, #tpu.memory_space<vmem>>) target(%dma_start3A_123 : memref<128x128xf32, #tpu.memory_space<hbm>>) target_semaphore(%run_scoped3A : memref<!tpu.dma_semaphore, #tpu.memory_space<semaphore_mem>>)
      %dma_wait3A_124 = arith.constant 0 : i32
      %dma_wait3A_125 = tpu.memref_slice %arg4[%mul3A_2, %dma_wait3A_124] : memref<4096x128xf32, #tpu.memory_space<hbm>> -> memref<128x128xf32, #tpu.memory_space<hbm>>
      %dma_wait3A_126 = arith.constant 0 : i32
      %dma_wait3A_127 = tpu.memref_slice %arg4[%mul3A_2, %dma_wait3A_126] : memref<4096x128xf32, #tpu.memory_space<hbm>> -> memref<128x128xf32, #tpu.memory_space<hbm>>
      tpu.wait_dma2 semaphore(%run_scoped3A : memref<!tpu.dma_semaphore, #tpu.memory_space<semaphore_mem>>) src(%arg6 : memref<128x128xf32, #tpu.memory_space<vmem>>) dst(%dma_wait3A_127 : memref<128x128xf32, #tpu.memory_space<hbm>>)
      tpu.yield
    }) : () -> ()
    return
  }
}

</mosaic_0001>

<sc_bundles>
// kernel: kernel.3.cloned.1.call-start
scs
__scs_entry_jumppad:
0x0: {  	(pc) =	sbr.rel $0x88, $3  }
0x1: {  	(tag) =	ssettag $0x0;
	lr =	simm.s32 $0x1  }
0x2: {  	[smem:$0x3F9F] =	sst lr;
	_ =	strace $0xD0000000  }
0x3: {  	_ = 	snop  }
0x4: {  	_ = 	snop  }
0x5: {  	_ = 	snop  }
0x6: {  	_ = 	snop  }
0x7: {  	_ = 	snop  }
__scs_overlays_trampoline_lowered:
0x8: {  	[smem:$0x3FAE] =	sst s0  }
0x9: {  	[smem:$0x3FAF] =	sst s1  }
0xa: {  	[smem:$0x3FB0] =	sst s2  }
0xb: {  	[smem:$0x3FB1] =	sst s3  }
0xc: {  	[smem:$0x3FB2] =	sst s4  }
0xd: {  	[smem:$0x3FB3] =	sst s5  }
0xe: {  	[smem:$0x3FB4] =	sst s6  }
0xf: {  	[smem:$0x3FB5] =	sst s7  }
0x10: {  	[smem:$0x3FB6] =	sst s8  }
0x11: {  	[smem:$0x3FB7] =	sst s9;
	s0 =	simm.s32 @!p0 $0x0  }
0x12: {  	s1 =	sld [smem:$0x3F9D];
	s0 =	simm.s32 @p0 $0x1  }
0x13: {  	[smem:$0x3FB8] =	sst s0;
	s0 =	simm.s32 @!p1 $0x0  }
0x14: {  	s2 =	sld [smem:$0x3F9C];
	s0 =	simm.s32 @p1 $0x1  }
0x15: {  	[smem:$0x3FB9] =	sst s0;
	s0 =	simm.s32 @!p2 $0x0  }
0x16: {  	s3 =	sld [smem:$0x3FDB];
	s0 =	simm.s32 @p2 $0x1  }
0x17: {  	s4 =	simm.s32 $0x1BF5;
	[smem:$0x3FBB] =	sst s0  }
0x18: {  	s0 =	sld [smem:$0x3F9E];
	_ =	swait.ge [sflag:s4], $0x0  }
0x19: {  	s7 =	sld [smem:$0x3F9F]  }
0x1a: {  	s8 =	sadd.s32 $0xFFFFE003, lr  }
0x1b: {  	s9 =	sadd.s32 $0xFFFFFEF7, lr;
	s5 =	simm.s32 $0xFFFFFFFF;
	p2 =	slt.u32 s8, $0xFFFFF086  }
0x1c: {  	p1 =	slt.u32 s9, $0xF7A;
	s5 =	simm.s32 @!p2 $0x0  }
0x1d: {  	s5 =	simm.s32 @p1 $0x1;
	p0 =	seq.s32 s7, s2  }
0x1e: {  	s7 =	smul.u32 @!p0 $0xF7A, s2;
	p2 =	seq.s32 @!p0 s5, $0x0  }
0x1f: {  	s9 =	smul.u32 $0xF7A, s1;
	s8 =	simm.s32 @!p0 $0x1BF5;
	p2 =	por !p2, p0  }
0x20: {  	[sflag:s8] =	ssyncset.s32 @!p0 $0xFFFFF086;
	s6 =	sadd.s32 @!p0 s3, s7;
	s7 =	simm.s32 @!p0 $0x108  }
0x21: {  	s3 =	sadd.s32 s3, s9;
	s6 =	sadd.s32 @!p0 $0x88, s6;
	s7 =	simm.s32 @p2 $0x1082  }
0x22: {  	[simem:s7], [sflag:s8] =	dma.local @!p0 [hbm:s6], $0xF7A  }
0x23: {  	s9 =	sor.u32 $0xD0000000, s2;
	s6 =	simm.s32 $0x108;
	_ =	swait.ge @!p0 [sflag:s8], $0x0  }
0x24: {  	s3 =	sadd.s32 $0x88, s3;
	s6 =	simm.s32 @!p1 $0x1082;
	[sflag:s4] =	ssyncset.s32 $0xFFFFF086  }
0x25: {  	[simem:s6], [sflag:s4] =	dma.local [hbm:s3], $0xF7A  }
0x26: {  	[smem:$0x3F9F] =	sst s1;
	(tag) =	ssettag s2;
	_ =	strace s9  }
0x27: {  	s1 =	sld [smem:$0x3FAF]  }
0x28: {  	s2 =	sld [smem:$0x3FB0]  }
0x29: {  	s4 =	sld [smem:$0x3FB2]  }
0x2a: {  	p0 =	seq.s32 s5, $0x0;
	s5 =	sld [smem:$0x3FB3]  }
0x2b: {  	s6 =	sld [smem:$0x3FB4]  }
0x2c: {  	s7 =	sld [smem:$0x3FB5]  }
0x2d: {  	s3 =	simm.s32 $0x108;
	s8 =	sld [smem:$0x3FB6]  }
0x2e: {  	s3 =	simm.s32 @!p0 $0x1082;
	s9 =	sld [smem:$0x3FB7]  }
0x2f: {  	lr =	sadd.s32 s0, s3;
	s0 =	sld [smem:$0x3FAE]  }
0x30: {  	s3 =	sld [smem:$0x3FB1]  }
0x31: {  	[smem:$0x3FBA] =	sst s10  }
0x32: {  	s10 =	sld [smem:$0x3FB8];
	_ =	sdelay $0x3  }
0x33: {  	p0 =	seq.s32 s10, $0x1;
	s10 =	sld [smem:$0x3FBA];
	_ =	sdelay $0x3  }
0x34: {  	[smem:$0x3FBA] =	sst s10  }
0x35: {  	s10 =	sld [smem:$0x3FB9];
	_ =	sdelay $0x3  }
0x36: {  	p1 =	seq.s32 s10, $0x1;
	s10 =	sld [smem:$0x3FBA];
	_ =	sdelay $0x3  }
0x37: {  	[smem:$0x3FBA] =	sst s10  }
0x38: {  	s10 =	sld [smem:$0x3FBB]  }
0x39: {  	_ = 	snop;
	(pc) =	sbr.ind lr, $3  }
0x3a: {  	_ = 	snop  }
0x3b: {  	_ = 	snop  }
0x3c: {  	p2 =	seq.s32 s10, $0x1;
	s10 =	sld [smem:$0x3FBA]  }
0x3d: {  	_ =	shalt  }
0x3e: {  	_ =	shalt  }
0x3f: {  	_ =	shalt  }
0x40: {  	_ =	shalt  }
0x41: {  	_ =	shalt  }
0x42: {  	_ =	shalt  }
0x43: {  	_ =	shalt  }
0x44: {  	_ =	shalt  }
0x45: {  	_ =	shalt  }
0x46: {  	_ =	shalt  }
0x47: {  	_ =	shalt  }
0x48: {  	_ =	shalt  }
0x49: {  	_ =	shalt  }
0x4a: {  	_ =	shalt  }
0x4b: {  	_ =	shalt  }
0x4c: {  	_ =	shalt  }
0x4d: {  	_ =	shalt  }
0x4e: {  	_ =	shalt  }
0x4f: {  	_ =	shalt  }
0x50: {  	_ =	shalt  }
0x51: {  	_ =	shalt  }
0x52: {  	_ =	shalt  }
0x53: {  	_ =	shalt  }
0x54: {  	_ =	shalt  }
0x55: {  	_ =	shalt  }
0x56: {  	_ =	shalt  }
0x57: {  	_ =	shalt  }
0x58: {  	_ =	shalt  }
0x59: {  	_ =	shalt  }
0x5a: {  	_ =	shalt  }
0x5b: {  	_ =	shalt  }
0x5c: {  	_ =	shalt  }
0x5d: {  	_ =	shalt  }
0x5e: {  	_ =	shalt  }
0x5f: {  	_ =	shalt  }
0x60: {  	_ =	shalt  }
0x61: {  	_ =	shalt  }
0x62: {  	_ =	shalt  }
0x63: {  	_ =	shalt  }
0x64: {  	_ =	shalt  }
0x65: {  	_ =	shalt  }
0x66: {  	_ =	shalt  }
0x67: {  	_ =	shalt  }
0x68: {  	_ =	shalt  }
0x69: {  	_ =	shalt  }
0x6a: {  	_ =	shalt  }
0x6b: {  	_ =	shalt  }
0x6c: {  	_ =	shalt  }
0x6d: {  	_ =	shalt  }
0x6e: {  	_ =	shalt  }
0x6f: {  	_ =	shalt  }
0x70: {  	_ =	shalt  }
0x71: {  	_ =	shalt  }
0x72: {  	_ =	shalt  }
0x73: {  	_ =	shalt  }
0x74: {  	_ =	shalt  }
0x75: {  	_ =	shalt  }
0x76: {  	_ =	shalt  }
0x77: {  	_ =	shalt  }
0x78: {  	_ =	shalt  }
0x79: {  	_ =	shalt  }
0x7a: {  	_ =	shalt  }
0x7b: {  	_ =	shalt  }
0x7c: {  	_ =	shalt  }
0x7d: {  	_ =	shalt  }
0x7e: {  	_ =	shalt  }
0x7f: {  	_ =	shalt  }
0x80: {  	_ =	shalt  }
0x81: {  	_ =	shalt  }
0x82: {  	_ =	shalt  }
0x83: {  	_ =	shalt  }
0x84: {  	_ =	shalt  }
0x85: {  	_ =	shalt  }
0x86: {  	_ =	shalt  }
0x87: {  	_ =	shalt  }
.Lfunc_end0:
.L_simem_size_0:
called_computation_lowered:
.L_overlay_start_0:
0x88: {  	s2 =	sld [smem:$0x3FD9]  }
0x89: {  	s3 =	sld [smem:$0x3FFE];
	_ =	sdelay $0x1  }
0x8a: {  	s1 =	srdreg.scid  }
0x8b: {  	s0 =	sand.u32 $0x1, s1  }
0x8c: {  	s18 =	sshll.u32 s0, $0xA;
	s2 =	sadd.s32 s3, s2  }
0x8d: {  	s2 =	sadd.s32 s2, s18  }
0x8e: {  	[smem:$0x3FC6] =	sst s2  }
0x8f: {  	_ = 	snop  }
0x90: {  	s2 =	sld [smem:$0x3FC9]  }
0x91: {  	s19 =	sld [smem:$0x3FC8]  }
0x92: {  	s4 =	sld [smem:$0x3FD0];
	(tm) =	ssettm $0x1  }
0x93: {  	s5 =	sld [smem:$0x3FFB];
	_ =	sdelay $0x3  }
0x94: {  	_ =	strace s5  }
0x95: {  	s5 =	sld [smem:$0x3FFC];
	_ =	sdelay $0x3  }
0x96: {  	_ =	strace s5  }
0x97: {  	s5 =	sld [smem:$0x3FFD];
	_ =	sdelay $0x3  }
0x98: {  	_ =	strace s5  }
0x99: {  	_ =	strace $0x8FFFFFFF  }
0x9a: {  	s20 =	sld [smem:$0x3FDB];
	_ =	sdelay $0x1  }
0x9b: {  	s6 =	simm.s32 $_scs_section_size  }
0x9c: {  	s7 =	simm.s32 $_size__tile_overlayer_lowered;
	s8 =	simm.s32 $_tile_overlayer_lowered  }
0x9d: {  	s23 =	simm.s32 $0x1BFF;
	s22 =	sshll.u32 s8, $0x1;
	s5 =	sadd.s32 s6, s20  }
0x9e: {  	s9 =	simm.s32 $0x0;
	s21 =	sshll.u32 s7, $0x1;
	s7 =	sadd.s32 s22, s5  }
0x9f: {  	[timem:s9], [sflag:s23] =	dma.local [hbm:s7], s21  }
0xa0: {  	_ =	swait.ge [sflag:s23], s21  }
0xa1: {  	s6 =	ssub.s32 $0x0, s21;
	[sflag:s23] =	ssyncset.done $0x0  }
0xa2: {  	[sflag:s23] =	ssyncadd.s32 s6;
	_ =	sdelay $0x1  }
0xa3: {  	s24 =	simm.s32 $0x1B8B  }
0xa4: {  	_ =	swait.ge [sflag:s24], $0x1  }
0xa5: {  	[sflag:s24] =	ssyncset.done $0x0  }
0xa6: {  	s25 =	simm.s32 $0x1B8E;
	[sflag:s24] =	ssyncadd.s32 $0xFFFFFFFF  }
0xa7: {  	s26 =	simm.s32 $execute0_lowered;
	[smem:$0x3FD2] =	sst s25  }
0xa8: {  	s6 =	sshll.u32 s26, $0x1;
	_ =	strace $0x80000046;
	[dreg:$0x1] =	wrdreg $0xFFFFFFFF  }
0xa9: {  	s28 =	simm.s32 $_size_execute0_lowered;
	s5 =	sadd.s32 s5, s6;
	[dreg:$0x0] =	wrdreg $0x0  }
0xaa: {  	s6 =	sshll.u32 s28, $0x1;
	[dreg:$0x2] =	wrdreg s5  }
0xab: {  	[dreg:$0x3] =	wrdreg s6  }
0xac: {  	[dreg:$0x4] =	wrdreg $0xC0  }
0xad: {  	_ =	task [dreg:s9], $0x5FFFF  }
0xae: {  	[dreg:$0x1] =	wrdreg $0xFFFFFFFF  }
0xaf: {  	[dreg:$0x0] =	wrdreg $0x60  }
0xb0: {  	[dreg:$0x2] =	wrdreg s2  }
0xb1: {  	[dreg:$0x3] =	wrdreg s19  }
0xb2: {  	[dreg:$0x4] =	wrdreg s4  }
0xb3: {  	[dreg:$0x5] =	wrdreg $0x9  }
0xb4: {  	_ =	task.clear_ibuf [dreg:s9], $0x6FFFF;
	_ =	strace $0x90000046  }
0xb5: {  	s29 =	simm.s32 $0x9;
	_ =	strace $0x80000048  }
0xb6: {  	_ =	swait.ge [sflag:s29], $0x1  }
0xb7: {  	[sflag:s29] =	ssyncadd.s32 $0xFFFFFFFF  }
0xb8: {  	_ =	strace $0x90000048  }
0xb9: {  	_ =	sfence  }
0xba: {  	s30 =	sld [smem:$0x0];
	_ =	sdelay $0x2  }
0xbb: {  	s31 =	sshll.u32 s1, $0xD;
	s1 =	sshrl.u32 s1, $0x2  }
0xbc: {  	s3 =	sand.u32 $0x4000, s31;
	s1 =	sadd.s32 s1, s30  }
0xbd: {  	s0 =	sor.u32 s3, s0;
	s1 =	sshll.u32 s1, $0x11  }
0xbe: {  	s0 =	sor.u32 s1, s0  }
0xbf: {  	s0 =	sadd.s32 $0x8F2B, s0  }
0xc0: {  	[sflag:s0] =	ssyncadd.remote.s32 $0x1  }
0xc1: {  	_ =	sfence.sel $0xFFFF  }
0xc2: {  	[dreg:$0x0] =	wrdreg $0xFFFFFFFF;
	(pc) =	sbr.abs _section_cstart, $3  }
0xc3: {  	[dreg:$0x1] =	wrdreg $0xFFFFFFFF  }
0xc4: {  	_ =	task.clear_ibuf [dreg:s9], $0x2FFFF;
	_ =	strace $0x9FFFFFFF  }
0xc5: {  	(tm) =	ssettm $0x7FFFFFFF  }
tec
execute0_lowered:
.L_overlay_start_1:
0x0: {  	(tag) =	ssettag $0x1  }
0x1: {  	s2 =	rddreg [dreg:$0x0]  }
0x2: {  	s4 =	rddreg [dreg:$0x1]  }
0x3: {  	s1 =	srdreg.scid;
	s0 =	stileid.u32  }
0x4: {  	s6 =	rddreg [dreg:$0x2];
	s7 =	sand.u32 $0x1, s1;
	s5 =	sshll.u32 s0, $0x1  }
0x5: {  	s3 =	simm.s32 $0x0;
	s1 =	rddreg [dreg:$0x3];
	s8 =	sor.u32 s7, s5  }
0x6: {  	[smem:$0x7FF] =	sst s3;
	s5 =	sshll.u32 s8, $0x4  }
0x7: {  	_ =	strace $0x80000047;
	s5 =	sadd.s32 s4, s5;
	s4 =	simm.s32 $0x2  }
0x8: {  	[tilespmem:s3], [sflag:$0x2] =	stream.linear.gather [hbm4b:s5+s3], $0x80, $0x38;
	[tilespmem:$0x4080] =	vst v63  }
0x9: {  	_ =	swait.ge [sflag:s4], $0x80  }
0xa: {  	[sflag:s4] =	ssyncset.done $0x0  }
0xb: {  	[sflag:s4] =	ssyncadd.s32 $0xFFFFFF80  }
0xc: {  	v2 =	vld [tilespmem:$0x70]  }
0xd: {  	v0 =	vlaneseq.u32;
	s9 =	smul.u32 $0x6400, s8;
	v3 =	vld [tilespmem:$0x30]  }
0xe: {  	v7 =	vmul.u32 $0xC8, v0;
	v4 =	vld [tilespmem:$0x50]  }
0xf: {  	s10 =	sadd.s32 $0x5780, s9;
	v5 =	vld [tilespmem:$0x40]  }
0x10: {  	s7 =	ssub.s32 $0x2, s7;
	s11 =	sadd.s32 $0x2580, s9;
	v0 =	vadd.s32 s10, v7;
	v6 =	vld [tilespmem:$0x60]  }
0x11: {  	s29 =	sshrl.u32 s7, $0x1;
	s24 =	sadd.s32 $0x3E80, s9;
	v1 =	vadd.s32 s11, v7;
	v8 =	vld [tilespmem:$0x20];
	v9 =	vadd.s32 v2, v0  }
0x12: {  	s7 =	ssub.s32 s7, s29;
	s25 =	sadd.s32 $0x3200, s9;
	v10 =	vld [tilespmem:$0x10];
	v2 =	vadd.s32 s24, v7;
	v11 =	vadd.s32 v3, v1;
	[tilespmem:$0x70] =	vst v9  }
0x13: {  	s26 =	sadd.s32 $0x4B00, s9;
	s31 =	smax.u32 s7, $0x1;
	v61 =	vld [tilespmem:$0x0];
	v3 =	vadd.s32 s25, v7;
	[tilespmem:$0x30] =	vst v11;
	v62 =	vadd.s32 v4, v2  }
0x14: {  	s28 =	sadd.s32 $0x1900, s9;
	p0 =	sne.s32 s31, $0x1;
	v4 =	vadd.s32 s26, v7;
	v12 =	vadd.s32 v5, v3;
	[tilespmem:$0x50] =	vst v62  }
.Ltmp0:
0x15: {  	s30 =	sadd.s32 $0xC80, s9;
	v5 =	vadd.s32 s28, v7;
	[tilespmem:$0x40] =	vst v12;
	v63 =	vadd.s32 v6, v4;
	(pc) =	sbr.rel @!p0 .LBB2_2-.Ltmp0, $4  }
0x16: {  	v6 =	vadd.s32 s30, v7;
	v8 =	vadd.s32 v8, v5;
	[tilespmem:$0x60] =	vst v63  }
0x17: {  	s8 =	sshll.u32 s8, $0xB;
	v7 =	vadd.s32 s9, v7;
	v10 =	vadd.s32 v10, v6;
	[tilespmem:$0x20] =	vst v8  }
0x18: {  	s6 =	sadd.s32 s6, s8;
	v8 =	vadd.s32 v61, v7;
	[tilespmem:$0x10] =	vst v10  }
0x19: {  	s8 =	simm.s32 $0x1;
	s7 =	simm.s32 $0x80;
	s9 =	sadd.s32 $0xFFFFFFFF, s31;
	[tilespmem:$0x0] =	vst v8  }
.LBB2_1:
0x1a: {  	[tilespmem:s7], [sflag:$0x1] =	stream.indirect.gather [hbm4b:s2+s7], $0x80, s3, s7, $0xb8;
	[tilespmem:$0x4080] =	vst v63  }
0x1b: {  	p0 =	sne.s32 s9, $0x1;
	s9 =	sadd.s32 $0xFFFFFFFF, s9;
	_ =	swait.ge [sflag:s8], $0x4000  }
0x1c: {  	[sflag:s8] =	ssyncset.done $0x0  }
0x1d: {  	[sflag:s8] =	ssyncadd.s32 $0xFFFFC000  }
0x1e: {  	[hbm4b:s6+s3] =	stream.linear.scatter [tilespmem:s7], [sflag:$0x2], $0x4000, $0x38;
	[tilespmem:$0x4080] =	vst v63  }
0x1f: {  	_ =	swait.ge [sflag:s4], $0x4000  }
0x20: {  	[sflag:s4] =	ssyncset.done $0x0  }
0x21: {  	[sflag:s4] =	ssyncadd.s32 $0xFFFFC000  }
0x22: {  	[tilespmem:s3], [sflag:$0x2] =	stream.linear.gather [hbm4b:s5+s3], $0x80, $0x38;
	[tilespmem:$0x4080] =	vst v63  }
0x23: {  	_ =	swait.ge [sflag:s4], $0x80  }
0x24: {  	[sflag:s4] =	ssyncset.done $0x0  }
0x25: {  	[sflag:s4] =	ssyncadd.s32 $0xFFFFFF80  }
0x26: {  	v8 =	vld [tilespmem:$0x70]  }
0x27: {  	v9 =	vld [tilespmem:$0x30]  }
0x28: {  	v10 =	vld [tilespmem:$0x50]  }
0x29: {  	v11 =	vld [tilespmem:$0x40]  }
0x2a: {  	v12 =	vld [tilespmem:$0x60]  }
0x2b: {  	v13 =	vld [tilespmem:$0x20];
	v8 =	vadd.s32 v8, v0  }
0x2c: {  	v14 =	vld [tilespmem:$0x10];
	v9 =	vadd.s32 v9, v1;
	[tilespmem:$0x70] =	vst v8  }
0x2d: {  	v8 =	vld [tilespmem:$0x0];
	[tilespmem:$0x30] =	vst v9;
	v9 =	vadd.s32 v10, v2  }
0x2e: {  	v10 =	vadd.s32 v11, v3;
	[tilespmem:$0x50] =	vst v9  }
.Ltmp1:
0x2f: {  	[tilespmem:$0x40] =	vst v10;
	v9 =	vadd.s32 v12, v4;
	(pc) =	sbr.rel @p0 .LBB2_1-.Ltmp1, $4  }
0x30: {  	v10 =	vadd.s32 v13, v5;
	[tilespmem:$0x60] =	vst v9  }
0x31: {  	v9 =	vadd.s32 v14, v6;
	[tilespmem:$0x20] =	vst v10  }
0x32: {  	v8 =	vadd.s32 v8, v7;
	[tilespmem:$0x10] =	vst v9  }
0x33: {  	[tilespmem:$0x0] =	vst v8  }
.LBB2_2:
0x34: {  	[tilespmem:s7], [sflag:$0x1] =	stream.indirect.gather [hbm4b:s2+s7], $0x80, s3, s7, $0xb8;
	[tilespmem:$0x4080] =	vst v63  }
0x35: {  	_ =	swait.ge [sflag:s8], $0x4000  }
0x36: {  	[sflag:s8] =	ssyncset.done $0x0  }
0x37: {  	[sflag:s8] =	ssyncadd.s32 $0xFFFFC000  }
0x38: {  	[hbm4b:s6+s3] =	stream.linear.scatter [tilespmem:s7], [sflag:$0x2], $0x4000, $0x38;
	[tilespmem:$0x4080] =	vst v63  }
0x39: {  	_ =	swait.ge [sflag:s4], $0x4000  }
0x3a: {  	[sflag:s4] =	ssyncset.done $0x0  }
0x3b: {  	[sflag:s4] =	ssyncadd.s32 $0xFFFFC000  }
0x3c: {  	_ =	sfence.sel $0x180000  }
0x3d: {  	[bflag:$0x0] =	sbarrier.arrive $0xFFFF  }
0x3e: {  	p0 =	sne.s32 s0, $0x0;
	_ =	strace $0x90000047  }
0x3f: {  	s0 =	sadd.s32 @!p0 $0x100000, s1;
	[bflag:$0x2] =	sbarrier.arrive $0xFFFF  }
0x40: {  	[sflag:s0] =	ssyncadd.tile.s32 @!p0 $0x1;
	_ =	shalt  }
.Lfunc_end2:
_tile_overlayer_lowered:
.L_overlay_start_2:
0x41: {  	(tag) =	ssettag $0x2  }
0x42: {  	s0 =	rddreg [dreg:$0x0];
	s2 =	stileid.u32  }
0x43: {  	s1 =	rddreg [dreg:$0x1];
	p0 =	sne.s32 s2, $0x0  }
0x44: {  	s3 =	rddreg [dreg:$0x2];
	[bflag:$0x3] =	sbarrier.arrive $0xFFFF;
	s2 =	simm.s32 @!p0 $0x1C02  }
0x45: {  	[timem:s3], [sflag:s2] =	dma.local @!p0 [hbm:s0], s1  }
0x46: {  	s0 =	simm.s32 @!p0 $0x2  }
0x47: {  	_ =	swait.ge @!p0 [sflag:s0], s1  }
0x48: {  	s1 =	ssub.s32 @!p0 $0x0, s1;
	[sflag:s0] =	ssyncset.done @!p0 $0x0  }
0x49: {  	[sflag:s0] =	ssyncadd.s32 @!p0 s1  }
0x4a: {  	[bflag:$0x3] =	sbarrier.arrive $0xFFFF  }
0x4b: {  	_ =	shalt  }

</sc_bundles>
